<compile_context>
chip_gen: v7x
topology: tpu7x:2x2x1
jax: 0.10.2.dev20260603
libtpu: 0.0.44.dev20260713+nightly
codegen_flags: <defaults>
</compile_context>

<pallas_src>
import functools

import jax
import jax.numpy as jnp
from jax import lax
from jax.experimental import pallas as pl
from jax.experimental.pallas import tpu as pltpu
from jax.experimental.pallas import tpu_sc as plsc

S = 64
G = 128
P = G * G
F = 6
B = 16384
GXBLK = 16
BBLK = 2048
NW = 32
BPW = B // NW
L = 16


def _table_body(sf_ref, w_ref, t_ref):
    v = w_ref[0, 0] * sf_ref[:, 0]
    for f in range(1, F):
        v = v + w_ref[0, f] * sf_ref[:, f]
    m = jnp.max(v, axis=0)
    e = jnp.exp(v - m[None])
    z = jnp.sum(e, axis=0)
    num = jnp.sum(e * v, axis=0)
    t_ref[...] = num / z


def _phi_body(p_ref, w_ref, pr_ref, idx_ref):
    def row(k, c):
        return p_ref[k, c:c + 1]

    pr_l = w_ref[0, 0] * row(0, 0)
    pr_r = w_ref[0, 0] * row(0, 1)
    for f in range(1, F):
        pr_l = pr_l + w_ref[0, f] * row(f, 0)
        pr_r = pr_r + w_ref[0, f] * row(f, 1)
    pr_ref[...] = jnp.concatenate([pr_l, pr_r], axis=0)

    def flat_idx(c):
        return row(6, c).astype(jnp.int32) * G + row(7, c).astype(jnp.int32), \
               row(8, c).astype(jnp.int32) * G + row(9, c).astype(jnp.int32)

    ss_l, es_l = flat_idx(0)
    ss_r, es_r = flat_idx(1)
    idx_ref[...] = jnp.concatenate([ss_l, ss_r, es_l, es_r], axis=0)


def _sc_combine_body(t_hbm, idx_hbm, pr_hbm, out_hbm,
                     t_v, idx_v, pr_v, out_v, sem):
    wid = lax.axis_index("s") * 2 + lax.axis_index("c")
    base = wid * BPW
    c1 = pltpu.async_copy(t_hbm, t_v, sem)
    c2 = pltpu.async_copy(idx_hbm.at[:, pl.ds(base, BPW)], idx_v, sem)
    c3 = pltpu.async_copy(pr_hbm.at[:, pl.ds(base, BPW)], pr_v, sem)
    c1.wait()
    c2.wait()
    c3.wait()

    def body(c, carry):
        s = c * L
        v_ssl = plsc.load_gather(t_v, [idx_v[0, pl.ds(s, L)]])
        v_ssr = plsc.load_gather(t_v, [idx_v[1, pl.ds(s, L)]])
        v_esl = plsc.load_gather(t_v, [idx_v[2, pl.ds(s, L)]])
        v_esr = plsc.load_gather(t_v, [idx_v[3, pl.ds(s, L)]])
        d_l = pr_v[0, pl.ds(s, L)] + v_esl - v_ssl
        d_r = pr_v[1, pl.ds(s, L)] + v_esr - v_ssr
        z = d_l - d_r
        out_v[0, pl.ds(s, L)] = 1.0 / (1.0 + jnp.exp(-z))
        out_v[1, pl.ds(s, L)] = 1.0 / (1.0 + jnp.exp(z))
        return carry

    lax.fori_loop(0, BPW // L, body, 0)
    pltpu.sync_copy(out_v, out_hbm.at[:, pl.ds(base, BPW)])


@functools.cache
def _make_sc_combine():
    return functools.partial(
        pl.kernel,
        mesh=plsc.VectorSubcoreMesh(core_axis_name="c", subcore_axis_name="s"),
        out_type=jax.ShapeDtypeStruct((2, B), jnp.float32),
        compiler_params=pltpu.CompilerParams(needs_layout_passes=False),
        scratch_types=[
            pltpu.VMEM((P,), jnp.float32),
            pltpu.VMEM((4, BPW), jnp.int32),
            pltpu.VMEM((2, BPW), jnp.float32),
            pltpu.VMEM((2, BPW), jnp.float32),
            pltpu.SemaphoreType.DMA,
        ],
    )(_sc_combine_body)


def kernel(phi, succ_feats, W):
    sfT = jnp.transpose(succ_feats, (0, 3, 1, 2))
    phiT = jnp.transpose(phi, (2, 1, 0))

    t_tab = pl.pallas_call(
        _table_body,
        grid=(G // GXBLK,),
        in_specs=[
            pl.BlockSpec((S, F, GXBLK, G), lambda j: (0, 0, j, 0)),
            pl.BlockSpec(memory_space=pltpu.SMEM),
        ],
        out_specs=pl.BlockSpec((GXBLK, G), lambda j: (j, 0)),
        out_shape=jax.ShapeDtypeStruct((G, G), jnp.float32),
    )(sfT, W)

    pr, idx = pl.pallas_call(
        _phi_body,
        grid=(B // BBLK,),
        in_specs=[
            pl.BlockSpec((10, 2, BBLK), lambda j: (0, 0, j)),
            pl.BlockSpec(memory_space=pltpu.SMEM),
        ],
        out_specs=[
            pl.BlockSpec((2, BBLK), lambda j: (0, j)),
            pl.BlockSpec((4, BBLK), lambda j: (0, j)),
        ],
        out_shape=[
            jax.ShapeDtypeStruct((2, B), jnp.float32),
            jax.ShapeDtypeStruct((4, B), jnp.int32),
        ],
    )(phiT, W)

    out = _make_sc_combine()(t_tab.reshape(P), idx, pr)
    return jnp.transpose(out, (1, 0))[:, :, None]

# --- scband reference (transcript-rebuilt; emitter-appended) ---
"""Pipeline reference for scband-reward-function-er-69423851373231 (READ-ONLY COPY).

The authoritative reference and input builder live on the scoring server;
editing this copy changes nothing except your own understanding.
"""

import jax, jax.numpy as jnp
import numpy as np


def setup_inputs(seed: int = 0) -> dict:
    key = jax.random.key(seed)
    k1, k2, k3, k4, k5 = jax.random.split(key, 5)
    B = 16384
    S = 64
    GX = 128
    GY = 128
    F = 6
    feat = jax.random.normal(k1, (B, 2, F), dtype=jnp.float32)
    ss = jax.random.randint(k2, (B, 2, 2), 0, GX).astype(jnp.float32)
    es = jax.random.randint(k3, (B, 2, 2), 0, GX).astype(jnp.float32)
    phi = jnp.concatenate([feat, ss, es], axis=2)  # [B, 2, 10]
    succ_feats = jax.random.normal(k4, (S, GX, GY, F), dtype=jnp.float32) * 0.1
    W = jax.random.normal(k5, (1, F), dtype=jnp.float32) * 0.1
    return {"phi": phi, "succ_feats": succ_feats, "W": W}


def _get_vals(cords, succ_feats, W):
    # cords: [B, 2, 2] where dim1 = (x, y), dim2 = (left, right)
    x = cords[:, 0].astype(jnp.int32)  # [B, 2]
    y = cords[:, 1].astype(jnp.int32)  # [B, 2]
    # torch: stack([succ_feats[:, x_i, y_i] for (x_i, y_i) in cords]) -> [B, S, 2, F]
    sel = succ_feats[:, x, y]          # [S, B, 2, F] (gather from table)
    sel = jnp.moveaxis(sel, 0, 1)      # [B, S, 2, F]
    vs = sel @ W.T                     # [B, S, 2, 1] (linear1, no bias)
    sm = jax.nn.softmax(vs, axis=1)    # softmax over S
    v = jnp.sum(sm * vs, axis=1)       # [B, 2, 1]
    return jnp.squeeze(v, axis=-1)     # [B, 2]


def reference(phi, succ_feats, W):
    pr = jnp.squeeze(phi[:, :, 0:6] @ W.T, axis=-1)  # [B, 2]
    ss_x = phi[:, :, 6]
    ss_y = phi[:, :, 7]
    ss_cords = jnp.stack([ss_x, ss_y], axis=1)  # [B, 2, 2]
    es_x = phi[:, :, 8]
    es_y = phi[:, :, 9]
    es_cords = jnp.stack([es_x, es_y], axis=1)  # [B, 2, 2]
    # get_vals runs under torch.no_grad() in the original -> stop_gradient
    v_ss = jax.lax.stop_gradient(_get_vals(ss_cords, succ_feats, W))
    v_es = jax.lax.stop_gradient(_get_vals(es_cords, succ_feats, W))
    left_pr = pr[:, 0:1]
    right_pr = pr[:, 1:2]
    left_vf_ss = v_ss[:, 0:1]
    right_vf_ss = v_ss[:, 1:2]
    left_vf_es = v_es[:, 0:1]
    right_vf_es = v_es[:, 1:2]
    left_delta_v = left_vf_es - left_vf_ss
    right_delta_v = right_vf_es - right_vf_ss
    left_delta_er = left_pr + left_delta_v
    right_delta_er = right_pr + right_delta_v
    left_pred = jax.nn.sigmoid(left_delta_er - right_delta_er)
    right_pred = jax.nn.sigmoid(right_delta_er - left_delta_er)
    phi_logit = jnp.stack([left_pred, right_pred], axis=1)  # [B, 2, 1]
    return phi_logit

if __name__ == "__main__":
    import jax
    _d = setup_inputs()
    print(jax.jit(kernel)(*tuple(_d.values())))

</pallas_src>

<mosaic_0001>
#map = affine_map<(d0, d1) -> (0)>
#map1 = affine_map<(d0, d1) -> (0, 0)>
module attributes {stable_mosaic.version = 14 : i64} {
  func.func @_sc_combine_body(%arg0: i32, %arg1: i32, %arg2: memref<16384xf32, #tpu.memory_space<hbm>>, %arg3: memref<4x16384xi32, #tpu.memory_space<hbm>>, %arg4: memref<2x16384xf32, #tpu.memory_space<hbm>>, %arg5: memref<2x16384xf32, #tpu.memory_space<hbm>>, %arg6: memref<16384xf32, #tpu.memory_space<vmem>>, %arg7: memref<4x512xi32, #tpu.memory_space<vmem>>, %arg8: memref<2x512xf32, #tpu.memory_space<vmem>>, %arg9: memref<2x512xf32, #tpu.memory_space<vmem>>, %arg10: memref<!tpu.dma_semaphore, #tpu.memory_space<semaphore_mem>>) attributes {dimension_semantics = [#tpu.dimension_semantics<core_parallel>, #tpu.dimension_semantics<subcore_parallel>], iteration_bounds = array<i64: 2, 16>, scalar_prefetch = 0 : i64, scratch_operands = 5 : i64, tpu.core_type = #tpu.core_type<sc_vector_subcore>, window_params = [{transform_indices = #map}, {transform_indices = #map1}, {transform_indices = #map1}, {transform_indices = #map1}]} {
    %mul3A = arith.constant 2 : i32
    %mul3A_0 = arith.muli %arg1, %mul3A : i32
    %add3A = arith.addi %mul3A_0, %arg0 : i32
    %mul3A_1 = arith.constant 512 : i32
    %mul3A_2 = arith.muli %add3A, %mul3A_1 : i32
    tpu.enqueue_dma source(%arg2 : memref<16384xf32, #tpu.memory_space<hbm>>) target(%arg6 : memref<16384xf32, #tpu.memory_space<vmem>>) target_semaphore(%arg10 : memref<!tpu.dma_semaphore, #tpu.memory_space<semaphore_mem>>)
    %dma_start3A = arith.constant 0 : i32
    %dma_start3A_3 = tpu.memref_slice %arg3[%dma_start3A, %mul3A_2] : memref<4x16384xi32, #tpu.memory_space<hbm>> -> memref<4x512xi32, #tpu.memory_space<hbm>>
    %dma_start3A_4 = arith.constant 0 : i32
    %dma_start3A_5 = tpu.memref_slice %arg3[%dma_start3A_4, %mul3A_2] : memref<4x16384xi32, #tpu.memory_space<hbm>> -> memref<4x512xi32, #tpu.memory_space<hbm>>
    tpu.enqueue_dma source(%dma_start3A_5 : memref<4x512xi32, #tpu.memory_space<hbm>>) target(%arg7 : memref<4x512xi32, #tpu.memory_space<vmem>>) target_semaphore(%arg10 : memref<!tpu.dma_semaphore, #tpu.memory_space<semaphore_mem>>)
    %dma_start3A_6 = arith.constant 0 : i32
    %dma_start3A_7 = tpu.memref_slice %arg4[%dma_start3A_6, %mul3A_2] : memref<2x16384xf32, #tpu.memory_space<hbm>> -> memref<2x512xf32, #tpu.memory_space<hbm>>
    %dma_start3A_8 = arith.constant 0 : i32
    %dma_start3A_9 = tpu.memref_slice %arg4[%dma_start3A_8, %mul3A_2] : memref<2x16384xf32, #tpu.memory_space<hbm>> -> memref<2x512xf32, #tpu.memory_space<hbm>>
    tpu.enqueue_dma source(%dma_start3A_9 : memref<2x512xf32, #tpu.memory_space<hbm>>) target(%arg8 : memref<2x512xf32, #tpu.memory_space<vmem>>) target_semaphore(%arg10 : memref<!tpu.dma_semaphore, #tpu.memory_space<semaphore_mem>>)
    tpu.wait_dma2 semaphore(%arg10 : memref<!tpu.dma_semaphore, #tpu.memory_space<semaphore_mem>>) src(%arg2 : memref<16384xf32, #tpu.memory_space<hbm>>) dst(%arg6 : memref<16384xf32, #tpu.memory_space<vmem>>)
    %dma_wait3A = arith.constant 0 : i32
    %dma_wait3A_10 = tpu.memref_slice %arg3[%dma_wait3A, %mul3A_2] : memref<4x16384xi32, #tpu.memory_space<hbm>> -> memref<4x512xi32, #tpu.memory_space<hbm>>
    %dma_wait3A_11 = arith.constant 0 : i32
    %dma_wait3A_12 = tpu.memref_slice %arg3[%dma_wait3A_11, %mul3A_2] : memref<4x16384xi32, #tpu.memory_space<hbm>> -> memref<4x512xi32, #tpu.memory_space<hbm>>
    tpu.wait_dma2 semaphore(%arg10 : memref<!tpu.dma_semaphore, #tpu.memory_space<semaphore_mem>>) src(%dma_wait3A_12 : memref<4x512xi32, #tpu.memory_space<hbm>>) dst(%arg7 : memref<4x512xi32, #tpu.memory_space<vmem>>)
    %dma_wait3A_13 = arith.constant 0 : i32
    %dma_wait3A_14 = tpu.memref_slice %arg4[%dma_wait3A_13, %mul3A_2] : memref<2x16384xf32, #tpu.memory_space<hbm>> -> memref<2x512xf32, #tpu.memory_space<hbm>>
    %dma_wait3A_15 = arith.constant 0 : i32
    %dma_wait3A_16 = tpu.memref_slice %arg4[%dma_wait3A_15, %mul3A_2] : memref<2x16384xf32, #tpu.memory_space<hbm>> -> memref<2x512xf32, #tpu.memory_space<hbm>>
    tpu.wait_dma2 semaphore(%arg10 : memref<!tpu.dma_semaphore, #tpu.memory_space<semaphore_mem>>) src(%dma_wait3A_16 : memref<2x512xf32, #tpu.memory_space<hbm>>) dst(%arg8 : memref<2x512xf32, #tpu.memory_space<vmem>>)
    %scan3A = arith.constant 0 : i32
    %scan3A_17 = arith.constant 0 : i32
    %scan3A_18 = arith.constant 32 : i32
    %scan3A_19 = arith.addi %scan3A_17, %scan3A_18 : i32
    %scan3A_20 = arith.constant 1 : i32
    scf.for %scan3A_22 = %scan3A_17 to %scan3A_19 step %scan3A_20  : i32 {
      %mul3A_23 = arith.constant 16 : i32
      %mul3A_24 = arith.muli %scan3A_22, %mul3A_23 : i32
      %get3A = arith.constant 0 : i32
      %get3A_25 = arith.index_cast %get3A : i32 to index
      %get3A_26 = arith.index_cast %mul3A_24 : i32 to index
      %get3A_27 = tpu.vector_load %arg7[%get3A_25, %get3A_26] {strides = array<i32>} : memref<4x512xi32, #tpu.memory_space<vmem>>, vector<16xi32>,
      %gather3A = tpu.vector_load_idx %arg6[%get3A_27] : memref<16384xf32, #tpu.memory_space<vmem>>[vector<16xi32>], vector<16xf32>,
      %get3A_28 = arith.constant 1 : i32
      %get3A_29 = arith.index_cast %get3A_28 : i32 to index
      %get3A_30 = arith.index_cast %mul3A_24 : i32 to index
      %get3A_31 = tpu.vector_load %arg7[%get3A_29, %get3A_30] {strides = array<i32>} : memref<4x512xi32, #tpu.memory_space<vmem>>, vector<16xi32>,
      %gather3A_32 = tpu.vector_load_idx %arg6[%get3A_31] : memref<16384xf32, #tpu.memory_space<vmem>>[vector<16xi32>], vector<16xf32>,
      %get3A_33 = arith.constant 2 : i32
      %get3A_34 = arith.index_cast %get3A_33 : i32 to index
      %get3A_35 = arith.index_cast %mul3A_24 : i32 to index
      %get3A_36 = tpu.vector_load %arg7[%get3A_34, %get3A_35] {strides = array<i32>} : memref<4x512xi32, #tpu.memory_space<vmem>>, vector<16xi32>,
      %gather3A_37 = tpu.vector_load_idx %arg6[%get3A_36] : memref<16384xf32, #tpu.memory_space<vmem>>[vector<16xi32>], vector<16xf32>,
      %get3A_38 = arith.constant 3 : i32
      %get3A_39 = arith.index_cast %get3A_38 : i32 to index
      %get3A_40 = arith.index_cast %mul3A_24 : i32 to index
      %get3A_41 = tpu.vector_load %arg7[%get3A_39, %get3A_40] {strides = array<i32>} : memref<4x512xi32, #tpu.memory_space<vmem>>, vector<16xi32>,
      %gather3A_42 = tpu.vector_load_idx %arg6[%get3A_41] : memref<16384xf32, #tpu.memory_space<vmem>>[vector<16xi32>], vector<16xf32>,
      %get3A_43 = arith.constant 0 : i32
      %get3A_44 = arith.index_cast %get3A_43 : i32 to index
      %get3A_45 = arith.index_cast %mul3A_24 : i32 to index
      %get3A_46 = tpu.vector_load %arg8[%get3A_44, %get3A_45] {strides = array<i32>} : memref<2x512xf32, #tpu.memory_space<vmem>>, vector<16xf32>,
      %add3A_47 = arith.addf %get3A_46, %gather3A_37 : vector<16xf32>
      %sub3A = arith.subf %add3A_47, %gather3A : vector<16xf32>
      %get3A_48 = arith.constant 1 : i32
      %get3A_49 = arith.index_cast %get3A_48 : i32 to index
      %get3A_50 = arith.index_cast %mul3A_24 : i32 to index
      %get3A_51 = tpu.vector_load %arg8[%get3A_49, %get3A_50] {strides = array<i32>} : memref<2x512xf32, #tpu.memory_space<vmem>>, vector<16xf32>,
      %add3A_52 = arith.addf %get3A_51, %gather3A_42 : vector<16xf32>
      %sub3A_53 = arith.subf %add3A_52, %gather3A_32 : vector<16xf32>
      %sub3A_54 = arith.subf %sub3A, %sub3A_53 : vector<16xf32>
      %neg3A = arith.constant 0.000000e+00 : f32
      %neg3A_55 = vector.broadcast %neg3A : f32 to vector<16xf32>
      %neg3A_56 = arith.subf %neg3A_55, %sub3A_54 : vector<16xf32>
      %exp3A = math.exp %neg3A_56 : vector<16xf32>
      %add3A_57 = arith.constant 1.000000e+00 : f32
      %add3A_58 = vector.broadcast %add3A_57 : f32 to vector<16xf32>
      %add3A_59 = arith.addf %add3A_58, %exp3A : vector<16xf32>
      %div3A = arith.constant 1.000000e+00 : f32
      %div3A_60 = vector.broadcast %div3A : f32 to vector<16xf32>
      %div3A_61 = arith.divf %div3A_60, %add3A_59 : vector<16xf32>
      %swap3A = arith.constant 0 : i32
      %swap3A_62 = arith.index_cast %swap3A : i32 to index
      %swap3A_63 = arith.index_cast %mul3A_24 : i32 to index
      %swap3A_64 = tpu.vector_load %arg9[%swap3A_62, %swap3A_63] {strides = array<i32>} : memref<2x512xf32, #tpu.memory_space<vmem>>, vector<16xf32>,
      tpu.vector_store %arg9[%swap3A_62, %swap3A_63], %div3A_61 {strides = array<i32>} : memref<2x512xf32, #tpu.memory_space<vmem>>, vector<16xf32>,
      %exp3A_65 = math.exp %sub3A_54 : vector<16xf32>
      %add3A_66 = arith.constant 1.000000e+00 : f32
      %add3A_67 = vector.broadcast %add3A_66 : f32 to vector<16xf32>
      %add3A_68 = arith.addf %add3A_67, %exp3A_65 : vector<16xf32>
      %div3A_69 = arith.constant 1.000000e+00 : f32
      %div3A_70 = vector.broadcast %div3A_69 : f32 to vector<16xf32>
      %div3A_71 = arith.divf %div3A_70, %add3A_68 : vector<16xf32>
      %swap3A_72 = arith.constant 1 : i32
      %swap3A_73 = arith.index_cast %swap3A_72 : i32 to index
      %swap3A_74 = arith.index_cast %mul3A_24 : i32 to index
      %swap3A_75 = tpu.vector_load %arg9[%swap3A_73, %swap3A_74] {strides = array<i32>} : memref<2x512xf32, #tpu.memory_space<vmem>>, vector<16xf32>,
      tpu.vector_store %arg9[%swap3A_73, %swap3A_74], %div3A_71 {strides = array<i32>} : memref<2x512xf32, #tpu.memory_space<vmem>>, vector<16xf32>,
    }
    %scan3A_21 = arith.constant 32 : i32
    "tpu.region"() ({
      %run_scoped3A = tpu.sem_alloc : memref<!tpu.dma_semaphore, #tpu.memory_space<semaphore_mem>>
      %dma_start3A_22 = arith.constant 0 : i32
      %dma_start3A_23 = tpu.memref_slice %arg5[%dma_start3A_22, %mul3A_2] : memref<2x16384xf32, #tpu.memory_space<hbm>> -> memref<2x512xf32, #tpu.memory_space<hbm>>
      %dma_start3A_24 = arith.constant 0 : i32
      %dma_start3A_25 = tpu.memref_slice %arg5[%dma_start3A_24, %mul3A_2] : memref<2x16384xf32, #tpu.memory_space<hbm>> -> memref<2x512xf32, #tpu.memory_space<hbm>>
      tpu.enqueue_dma source(%arg9 : memref<2x512xf32, #tpu.memory_space<vmem>>) target(%dma_start3A_25 : memref<2x512xf32, #tpu.memory_space<hbm>>) target_semaphore(%run_scoped3A : memref<!tpu.dma_semaphore, #tpu.memory_space<semaphore_mem>>)
      %dma_wait3A_26 = arith.constant 0 : i32
      %dma_wait3A_27 = tpu.memref_slice %arg5[%dma_wait3A_26, %mul3A_2] : memref<2x16384xf32, #tpu.memory_space<hbm>> -> memref<2x512xf32, #tpu.memory_space<hbm>>
      %dma_wait3A_28 = arith.constant 0 : i32
      %dma_wait3A_29 = tpu.memref_slice %arg5[%dma_wait3A_28, %mul3A_2] : memref<2x16384xf32, #tpu.memory_space<hbm>> -> memref<2x512xf32, #tpu.memory_space<hbm>>
      tpu.wait_dma2 semaphore(%run_scoped3A : memref<!tpu.dma_semaphore, #tpu.memory_space<semaphore_mem>>) src(%arg9 : memref<2x512xf32, #tpu.memory_space<vmem>>) dst(%dma_wait3A_29 : memref<2x512xf32, #tpu.memory_space<hbm>>)
      tpu.yield
    }) : () -> ()
    return
  }
}

module attributes {stable_mosaic.version = 14 : i64} {
  func.func @_table_body(%arg0: i32, %arg1: memref<64x6x16x128xf32, #tpu.memory_space<vmem>>, %arg2: memref<1x6xf32, #tpu.memory_space<smem>>, %arg3: memref<16x128xf32, #tpu.memory_space<vmem>>) attributes {dimension_semantics = [#tpu.dimension_semantics<arbitrary>], iteration_bounds = array<i64: 8>, scalar_prefetch = 0 : i64, scratch_operands = 0 : i64, tpu.core_type = #tpu.core_type<tc>, window_params = [{transform_indices = @transform_0, window_bounds = array<i64: 64, 6, 16, 128>}, {transform_indices = @transform_1, window_bounds = array<i64: 1, 6>}, {transform_indices = @transform_2, window_bounds = array<i64: 16, 128>}]} {
    %get3A = arith.constant 0 : index
    %get3A_0 = arith.constant 0 : index
    %get3A_1 = memref.load %arg2[%get3A, %get3A_0] : memref<1x6xf32, #tpu.memory_space<smem>>
    %get3A_2 = arith.constant 0 : index
    %get3A_3 = arith.constant 0 : index
    %get3A_4 = arith.constant 0 : index
    %get3A_5 = arith.constant 0 : index
    %get3A_6 = vector.load %arg1[%get3A_2, %get3A_3, %get3A_4, %get3A_5] : memref<64x6x16x128xf32, #tpu.memory_space<vmem>>, vector<64x1x16x128xf32>
    %get3A_7 = vector.shape_cast %get3A_6 : vector<64x1x16x128xf32> to vector<64x16x128xf32>
    %mul3A = vector.broadcast %get3A_1 : f32 to vector<64x16x128xf32>
    %mul3A_8 = arith.mulf %mul3A, %get3A_7 : vector<64x16x128xf32>
    %get3A_9 = arith.constant 0 : index
    %get3A_10 = arith.constant 1 : index
    %get3A_11 = memref.load %arg2[%get3A_9, %get3A_10] : memref<1x6xf32, #tpu.memory_space<smem>>
    %get3A_12 = arith.constant 0 : index
    %get3A_13 = arith.constant 1 : index
    %get3A_14 = arith.constant 0 : index
    %get3A_15 = arith.constant 0 : index
    %get3A_16 = vector.load %arg1[%get3A_12, %get3A_13, %get3A_14, %get3A_15] : memref<64x6x16x128xf32, #tpu.memory_space<vmem>>, vector<64x1x16x128xf32>
    %get3A_17 = vector.shape_cast %get3A_16 : vector<64x1x16x128xf32> to vector<64x16x128xf32>
    %mul3A_18 = vector.broadcast %get3A_11 : f32 to vector<64x16x128xf32>
    %mul3A_19 = arith.mulf %mul3A_18, %get3A_17 : vector<64x16x128xf32>
    %add3A = arith.addf %mul3A_8, %mul3A_19 : vector<64x16x128xf32>
    %get3A_20 = arith.constant 0 : index
    %get3A_21 = arith.constant 2 : index
    %get3A_22 = memref.load %arg2[%get3A_20, %get3A_21] : memref<1x6xf32, #tpu.memory_space<smem>>
    %get3A_23 = arith.constant 0 : index
    %get3A_24 = arith.constant 2 : index
    %get3A_25 = arith.constant 0 : index
    %get3A_26 = arith.constant 0 : index
    %get3A_27 = vector.load %arg1[%get3A_23, %get3A_24, %get3A_25, %get3A_26] : memref<64x6x16x128xf32, #tpu.memory_space<vmem>>, vector<64x1x16x128xf32>
    %get3A_28 = vector.shape_cast %get3A_27 : vector<64x1x16x128xf32> to vector<64x16x128xf32>
    %mul3A_29 = vector.broadcast %get3A_22 : f32 to vector<64x16x128xf32>
    %mul3A_30 = arith.mulf %mul3A_29, %get3A_28 : vector<64x16x128xf32>
    %add3A_31 = arith.addf %add3A, %mul3A_30 : vector<64x16x128xf32>
    %get3A_32 = arith.constant 0 : index
    %get3A_33 = arith.constant 3 : index
    %get3A_34 = memref.load %arg2[%get3A_32, %get3A_33] : memref<1x6xf32, #tpu.memory_space<smem>>
    %get3A_35 = arith.constant 0 : index
    %get3A_36 = arith.constant 3 : index
    %get3A_37 = arith.constant 0 : index
    %get3A_38 = arith.constant 0 : index
    %get3A_39 = vector.load %arg1[%get3A_35, %get3A_36, %get3A_37, %get3A_38] : memref<64x6x16x128xf32, #tpu.memory_space<vmem>>, vector<64x1x16x128xf32>
    %get3A_40 = vector.shape_cast %get3A_39 : vector<64x1x16x128xf32> to vector<64x16x128xf32>
    %mul3A_41 = vector.broadcast %get3A_34 : f32 to vector<64x16x128xf32>
    %mul3A_42 = arith.mulf %mul3A_41, %get3A_40 : vector<64x16x128xf32>
    %add3A_43 = arith.addf %add3A_31, %mul3A_42 : vector<64x16x128xf32>
    %get3A_44 = arith.constant 0 : index
    %get3A_45 = arith.constant 4 : index
    %get3A_46 = memref.load %arg2[%get3A_44, %get3A_45] : memref<1x6xf32, #tpu.memory_space<smem>>
    %get3A_47 = arith.constant 0 : index
    %get3A_48 = arith.constant 4 : index
    %get3A_49 = arith.constant 0 : index
    %get3A_50 = arith.constant 0 : index
    %get3A_51 = vector.load %arg1[%get3A_47, %get3A_48, %get3A_49, %get3A_50] : memref<64x6x16x128xf32, #tpu.memory_space<vmem>>, vector<64x1x16x128xf32>
    %get3A_52 = vector.shape_cast %get3A_51 : vector<64x1x16x128xf32> to vector<64x16x128xf32>
    %mul3A_53 = vector.broadcast %get3A_46 : f32 to vector<64x16x128xf32>
    %mul3A_54 = arith.mulf %mul3A_53, %get3A_52 : vector<64x16x128xf32>
    %add3A_55 = arith.addf %add3A_43, %mul3A_54 : vector<64x16x128xf32>
    %get3A_56 = arith.constant 0 : index
    %get3A_57 = arith.constant 5 : index
    %get3A_58 = memref.load %arg2[%get3A_56, %get3A_57] : memref<1x6xf32, #tpu.memory_space<smem>>
    %get3A_59 = arith.constant 0 : index
    %get3A_60 = arith.constant 5 : index
    %get3A_61 = arith.constant 0 : index
    %get3A_62 = arith.constant 0 : index
    %get3A_63 = vector.load %arg1[%get3A_59, %get3A_60, %get3A_61, %get3A_62] : memref<64x6x16x128xf32, #tpu.memory_space<vmem>>, vector<64x1x16x128xf32>
    %get3A_64 = vector.shape_cast %get3A_63 : vector<64x1x16x128xf32> to vector<64x16x128xf32>
    %mul3A_65 = vector.broadcast %get3A_58 : f32 to vector<64x16x128xf32>
    %mul3A_66 = arith.mulf %mul3A_65, %get3A_64 : vector<64x16x128xf32>
    %add3A_67 = arith.addf %add3A_55, %mul3A_66 : vector<64x16x128xf32>
    %reduce_max3A = arith.constant dense<0xFF800000> : vector<16x128xf32>
    %reduce_max3A_68 = vector.multi_reduction <maximumf>, %add3A_67, %reduce_max3A [0] : vector<64x16x128xf32> to vector<16x128xf32>
    %broadcast_in_dim3A = vector.shape_cast %reduce_max3A_68 : vector<16x128xf32> to vector<1x16x128xf32>
    %sub3A = vector.broadcast %broadcast_in_dim3A : vector<1x16x128xf32> to vector<64x16x128xf32>
    %sub3A_69 = arith.subf %add3A_67, %sub3A : vector<64x16x128xf32>
    %exp3A = math.exp %sub3A_69 : vector<64x16x128xf32>
    %reduce_sum3A = arith.constant dense<0.000000e+00> : vector<16x128xf32>
    %reduce_sum3A_70 = vector.multi_reduction <add>, %exp3A, %reduce_sum3A [0] : vector<64x16x128xf32> to vector<16x128xf32>
    %mul3A_71 = arith.mulf %exp3A, %add3A_67 : vector<64x16x128xf32>
    %reduce_sum3A_72 = arith.constant dense<0.000000e+00> : vector<16x128xf32>
    %reduce_sum3A_73 = vector.multi_reduction <add>, %mul3A_71, %reduce_sum3A_72 [0] : vector<64x16x128xf32> to vector<16x128xf32>
    %div3A = arith.divf %reduce_sum3A_73, %reduce_sum3A_70 : vector<16x128xf32>
    %swap3A = arith.constant 0 : index
    %swap3A_74 = arith.constant 0 : index
    %swap3A_75 = vector.load %arg3[%swap3A, %swap3A_74] : memref<16x128xf32, #tpu.memory_space<vmem>>, vector<16x128xf32>
    tpu.vector_store %arg3[%swap3A, %swap3A_74], %div3A {strides = array<i32>} : memref<16x128xf32, #tpu.memory_space<vmem>>, vector<16x128xf32>,
    return
  }
  func.func @transform_0(%arg0: i32) -> (i32, i32, i32, i32) {
    %c0_i32 = arith.constant 0 : i32
    %c0_i32_0 = arith.constant 0 : i32
    %c0_i32_1 = arith.constant 0 : i32
    %c0_i32_2 = arith.constant 0 : i32
    return %c0_i32, %c0_i32_0, %arg0, %c0_i32_1 : i32, i32, i32, i32
  }
  func.func @transform_1(%arg0: i32) -> (i32, i32) {
    %c0_i32 = arith.constant 0 : i32
    %c0_i32_0 = arith.constant 0 : i32
    %c0_i32_1 = arith.constant 0 : i32
    return %c0_i32, %c0_i32_0 : i32, i32
  }
  func.func @transform_2(%arg0: i32) -> (i32, i32) {
    %c0_i32 = arith.constant 0 : i32
    %c0_i32_0 = arith.constant 0 : i32
    return %arg0, %c0_i32 : i32, i32
  }
}

module attributes {stable_mosaic.version = 14 : i64} {
  func.func @_phi_body(%arg0: i32, %arg1: memref<10x2x2048xf32, #tpu.memory_space<vmem>>, %arg2: memref<1x6xf32, #tpu.memory_space<smem>>, %arg3: memref<2x2048xf32, #tpu.memory_space<vmem>>, %arg4: memref<4x2048xi32, #tpu.memory_space<vmem>>) attributes {dimension_semantics = [#tpu.dimension_semantics<arbitrary>], iteration_bounds = array<i64: 8>, scalar_prefetch = 0 : i64, scratch_operands = 0 : i64, tpu.core_type = #tpu.core_type<tc>, window_params = [{transform_indices = @transform_0, window_bounds = array<i64: 10, 2, 2048>}, {transform_indices = @transform_1, window_bounds = array<i64: 1, 6>}, {transform_indices = @transform_2, window_bounds = array<i64: 2, 2048>}, {transform_indices = @transform_3, window_bounds = array<i64: 4, 2048>}]} {
    %get3A = arith.constant 0 : index
    %get3A_0 = arith.constant 0 : index
    %get3A_1 = memref.load %arg2[%get3A, %get3A_0] : memref<1x6xf32, #tpu.memory_space<smem>>
    %get3A_2 = arith.constant 0 : index
    %get3A_3 = arith.constant 0 : index
    %get3A_4 = arith.constant 0 : index
    %get3A_5 = vector.load %arg1[%get3A_2, %get3A_3, %get3A_4] : memref<10x2x2048xf32, #tpu.memory_space<vmem>>, vector<1x1x2048xf32>
    %get3A_6 = vector.shape_cast %get3A_5 : vector<1x1x2048xf32> to vector<1x2048xf32>
    %mul3A = vector.broadcast %get3A_1 : f32 to vector<1x2048xf32>
    %mul3A_7 = arith.mulf %mul3A, %get3A_6 : vector<1x2048xf32>
    %get3A_8 = arith.constant 0 : index
    %get3A_9 = arith.constant 0 : index
    %get3A_10 = memref.load %arg2[%get3A_8, %get3A_9] : memref<1x6xf32, #tpu.memory_space<smem>>
    %get3A_11 = arith.constant 0 : index
    %get3A_12 = arith.constant 1 : index
    %get3A_13 = arith.constant 0 : index
    %get3A_14 = vector.load %arg1[%get3A_11, %get3A_12, %get3A_13] : memref<10x2x2048xf32, #tpu.memory_space<vmem>>, vector<1x1x2048xf32>
    %get3A_15 = vector.shape_cast %get3A_14 : vector<1x1x2048xf32> to vector<1x2048xf32>
    %mul3A_16 = vector.broadcast %get3A_10 : f32 to vector<1x2048xf32>
    %mul3A_17 = arith.mulf %mul3A_16, %get3A_15 : vector<1x2048xf32>
    %get3A_18 = arith.constant 0 : index
    %get3A_19 = arith.constant 1 : index
    %get3A_20 = memref.load %arg2[%get3A_18, %get3A_19] : memref<1x6xf32, #tpu.memory_space<smem>>
    %get3A_21 = arith.constant 1 : index
    %get3A_22 = arith.constant 0 : index
    %get3A_23 = arith.constant 0 : index
    %get3A_24 = vector.load %arg1[%get3A_21, %get3A_22, %get3A_23] : memref<10x2x2048xf32, #tpu.memory_space<vmem>>, vector<1x1x2048xf32>
    %get3A_25 = vector.shape_cast %get3A_24 : vector<1x1x2048xf32> to vector<1x2048xf32>
    %mul3A_26 = vector.broadcast %get3A_20 : f32 to vector<1x2048xf32>
    %mul3A_27 = arith.mulf %mul3A_26, %get3A_25 : vector<1x2048xf32>
    %add3A = arith.addf %mul3A_7, %mul3A_27 : vector<1x2048xf32>
    %get3A_28 = arith.constant 0 : index
    %get3A_29 = arith.constant 1 : index
    %get3A_30 = memref.load %arg2[%get3A_28, %get3A_29] : memref<1x6xf32, #tpu.memory_space<smem>>
    %get3A_31 = arith.constant 1 : index
    %get3A_32 = arith.constant 1 : index
    %get3A_33 = arith.constant 0 : index
    %get3A_34 = vector.load %arg1[%get3A_31, %get3A_32, %get3A_33] : memref<10x2x2048xf32, #tpu.memory_space<vmem>>, vector<1x1x2048xf32>
    %get3A_35 = vector.shape_cast %get3A_34 : vector<1x1x2048xf32> to vector<1x2048xf32>
    %mul3A_36 = vector.broadcast %get3A_30 : f32 to vector<1x2048xf32>
    %mul3A_37 = arith.mulf %mul3A_36, %get3A_35 : vector<1x2048xf32>
    %add3A_38 = arith.addf %mul3A_17, %mul3A_37 : vector<1x2048xf32>
    %get3A_39 = arith.constant 0 : index
    %get3A_40 = arith.constant 2 : index
    %get3A_41 = memref.load %arg2[%get3A_39, %get3A_40] : memref<1x6xf32, #tpu.memory_space<smem>>
    %get3A_42 = arith.constant 2 : index
    %get3A_43 = arith.constant 0 : index
    %get3A_44 = arith.constant 0 : index
    %get3A_45 = vector.load %arg1[%get3A_42, %get3A_43, %get3A_44] : memref<10x2x2048xf32, #tpu.memory_space<vmem>>, vector<1x1x2048xf32>
    %get3A_46 = vector.shape_cast %get3A_45 : vector<1x1x2048xf32> to vector<1x2048xf32>
    %mul3A_47 = vector.broadcast %get3A_41 : f32 to vector<1x2048xf32>
    %mul3A_48 = arith.mulf %mul3A_47, %get3A_46 : vector<1x2048xf32>
    %add3A_49 = arith.addf %add3A, %mul3A_48 : vector<1x2048xf32>
    %get3A_50 = arith.constant 0 : index
    %get3A_51 = arith.constant 2 : index
    %get3A_52 = memref.load %arg2[%get3A_50, %get3A_51] : memref<1x6xf32, #tpu.memory_space<smem>>
    %get3A_53 = arith.constant 2 : index
    %get3A_54 = arith.constant 1 : index
    %get3A_55 = arith.constant 0 : index
    %get3A_56 = vector.load %arg1[%get3A_53, %get3A_54, %get3A_55] : memref<10x2x2048xf32, #tpu.memory_space<vmem>>, vector<1x1x2048xf32>
    %get3A_57 = vector.shape_cast %get3A_56 : vector<1x1x2048xf32> to vector<1x2048xf32>
    %mul3A_58 = vector.broadcast %get3A_52 : f32 to vector<1x2048xf32>
    %mul3A_59 = arith.mulf %mul3A_58, %get3A_57 : vector<1x2048xf32>
    %add3A_60 = arith.addf %add3A_38, %mul3A_59 : vector<1x2048xf32>
    %get3A_61 = arith.constant 0 : index
    %get3A_62 = arith.constant 3 : index
    %get3A_63 = memref.load %arg2[%get3A_61, %get3A_62] : memref<1x6xf32, #tpu.memory_space<smem>>
    %get3A_64 = arith.constant 3 : index
    %get3A_65 = arith.constant 0 : index
    %get3A_66 = arith.constant 0 : index
    %get3A_67 = vector.load %arg1[%get3A_64, %get3A_65, %get3A_66] : memref<10x2x2048xf32, #tpu.memory_space<vmem>>, vector<1x1x2048xf32>
    %get3A_68 = vector.shape_cast %get3A_67 : vector<1x1x2048xf32> to vector<1x2048xf32>
    %mul3A_69 = vector.broadcast %get3A_63 : f32 to vector<1x2048xf32>
    %mul3A_70 = arith.mulf %mul3A_69, %get3A_68 : vector<1x2048xf32>
    %add3A_71 = arith.addf %add3A_49, %mul3A_70 : vector<1x2048xf32>
    %get3A_72 = arith.constant 0 : index
    %get3A_73 = arith.constant 3 : index
    %get3A_74 = memref.load %arg2[%get3A_72, %get3A_73] : memref<1x6xf32, #tpu.memory_space<smem>>
    %get3A_75 = arith.constant 3 : index
    %get3A_76 = arith.constant 1 : index
    %get3A_77 = arith.constant 0 : index
    %get3A_78 = vector.load %arg1[%get3A_75, %get3A_76, %get3A_77] : memref<10x2x2048xf32, #tpu.memory_space<vmem>>, vector<1x1x2048xf32>
    %get3A_79 = vector.shape_cast %get3A_78 : vector<1x1x2048xf32> to vector<1x2048xf32>
    %mul3A_80 = vector.broadcast %get3A_74 : f32 to vector<1x2048xf32>
    %mul3A_81 = arith.mulf %mul3A_80, %get3A_79 : vector<1x2048xf32>
    %add3A_82 = arith.addf %add3A_60, %mul3A_81 : vector<1x2048xf32>
    %get3A_83 = arith.constant 0 : index
    %get3A_84 = arith.constant 4 : index
    %get3A_85 = memref.load %arg2[%get3A_83, %get3A_84] : memref<1x6xf32, #tpu.memory_space<smem>>
    %get3A_86 = arith.constant 4 : index
    %get3A_87 = arith.constant 0 : index
    %get3A_88 = arith.constant 0 : index
    %get3A_89 = vector.load %arg1[%get3A_86, %get3A_87, %get3A_88] : memref<10x2x2048xf32, #tpu.memory_space<vmem>>, vector<1x1x2048xf32>
    %get3A_90 = vector.shape_cast %get3A_89 : vector<1x1x2048xf32> to vector<1x2048xf32>
    %mul3A_91 = vector.broadcast %get3A_85 : f32 to vector<1x2048xf32>
    %mul3A_92 = arith.mulf %mul3A_91, %get3A_90 : vector<1x2048xf32>
    %add3A_93 = arith.addf %add3A_71, %mul3A_92 : vector<1x2048xf32>
    %get3A_94 = arith.constant 0 : index
    %get3A_95 = arith.constant 4 : index
    %get3A_96 = memref.load %arg2[%get3A_94, %get3A_95] : memref<1x6xf32, #tpu.memory_space<smem>>
    %get3A_97 = arith.constant 4 : index
    %get3A_98 = arith.constant 1 : index
    %get3A_99 = arith.constant 0 : index
    %get3A_100 = vector.load %arg1[%get3A_97, %get3A_98, %get3A_99] : memref<10x2x2048xf32, #tpu.memory_space<vmem>>, vector<1x1x2048xf32>
    %get3A_101 = vector.shape_cast %get3A_100 : vector<1x1x2048xf32> to vector<1x2048xf32>
    %mul3A_102 = vector.broadcast %get3A_96 : f32 to vector<1x2048xf32>
    %mul3A_103 = arith.mulf %mul3A_102, %get3A_101 : vector<1x2048xf32>
    %add3A_104 = arith.addf %add3A_82, %mul3A_103 : vector<1x2048xf32>
    %get3A_105 = arith.constant 0 : index
    %get3A_106 = arith.constant 5 : index
    %get3A_107 = memref.load %arg2[%get3A_105, %get3A_106] : memref<1x6xf32, #tpu.memory_space<smem>>
    %get3A_108 = arith.constant 5 : index
    %get3A_109 = arith.constant 0 : index
    %get3A_110 = arith.constant 0 : index
    %get3A_111 = vector.load %arg1[%get3A_108, %get3A_109, %get3A_110] : memref<10x2x2048xf32, #tpu.memory_space<vmem>>, vector<1x1x2048xf32>
    %get3A_112 = vector.shape_cast %get3A_111 : vector<1x1x2048xf32> to vector<1x2048xf32>
    %mul3A_113 = vector.broadcast %get3A_107 : f32 to vector<1x2048xf32>
    %mul3A_114 = arith.mulf %mul3A_113, %get3A_112 : vector<1x2048xf32>
    %add3A_115 = arith.addf %add3A_93, %mul3A_114 : vector<1x2048xf32>
    %get3A_116 = arith.constant 0 : index
    %get3A_117 = arith.constant 5 : index
    %get3A_118 = memref.load %arg2[%get3A_116, %get3A_117] : memref<1x6xf32, #tpu.memory_space<smem>>
    %get3A_119 = arith.constant 5 : index
    %get3A_120 = arith.constant 1 : index
    %get3A_121 = arith.constant 0 : index
    %get3A_122 = vector.load %arg1[%get3A_119, %get3A_120, %get3A_121] : memref<10x2x2048xf32, #tpu.memory_space<vmem>>, vector<1x1x2048xf32>
    %get3A_123 = vector.shape_cast %get3A_122 : vector<1x1x2048xf32> to vector<1x2048xf32>
    %mul3A_124 = vector.broadcast %get3A_118 : f32 to vector<1x2048xf32>
    %mul3A_125 = arith.mulf %mul3A_124, %get3A_123 : vector<1x2048xf32>
    %add3A_126 = arith.addf %add3A_104, %mul3A_125 : vector<1x2048xf32>
    %concatenate3A = tpu.concatenate %add3A_115, %add3A_126 in 0 : vector<1x2048xf32>, vector<1x2048xf32> -> vector<2x2048xf32>
    %swap3A = arith.constant 0 : index
    %swap3A_127 = arith.constant 0 : index
    %swap3A_128 = vector.load %arg3[%swap3A, %swap3A_127] : memref<2x2048xf32, #tpu.memory_space<vmem>>, vector<2x2048xf32>
    tpu.vector_store %arg3[%swap3A, %swap3A_127], %concatenate3A {strides = array<i32>} : memref<2x2048xf32, #tpu.memory_space<vmem>>, vector<2x2048xf32>,
    %get3A_129 = arith.constant 6 : index
    %get3A_130 = arith.constant 0 : index
    %get3A_131 = arith.constant 0 : index
    %get3A_132 = vector.load %arg1[%get3A_129, %get3A_130, %get3A_131] : memref<10x2x2048xf32, #tpu.memory_space<vmem>>, vector<1x1x2048xf32>
    %get3A_133 = vector.shape_cast %get3A_132 : vector<1x1x2048xf32> to vector<1x2048xf32>
    %convert_element_type3A = arith.fptosi %get3A_133 : vector<1x2048xf32> to vector<1x2048xi32>
    %mul3A_134 = arith.constant 128 : i32
    %mul3A_135 = vector.broadcast %mul3A_134 : i32 to vector<1x2048xi32>
    %mul3A_136 = arith.muli %convert_element_type3A, %mul3A_135 : vector<1x2048xi32>
    %get3A_137 = arith.constant 7 : index
    %get3A_138 = arith.constant 0 : index
    %get3A_139 = arith.constant 0 : index
    %get3A_140 = vector.load %arg1[%get3A_137, %get3A_138, %get3A_139] : memref<10x2x2048xf32, #tpu.memory_space<vmem>>, vector<1x1x2048xf32>
    %get3A_141 = vector.shape_cast %get3A_140 : vector<1x1x2048xf32> to vector<1x2048xf32>
    %convert_element_type3A_142 = arith.fptosi %get3A_141 : vector<1x2048xf32> to vector<1x2048xi32>
    %add3A_143 = arith.addi %mul3A_136, %convert_element_type3A_142 : vector<1x2048xi32>
    %get3A_144 = arith.constant 8 : index
    %get3A_145 = arith.constant 0 : index
    %get3A_146 = arith.constant 0 : index
    %get3A_147 = vector.load %arg1[%get3A_144, %get3A_145, %get3A_146] : memref<10x2x2048xf32, #tpu.memory_space<vmem>>, vector<1x1x2048xf32>
    %get3A_148 = vector.shape_cast %get3A_147 : vector<1x1x2048xf32> to vector<1x2048xf32>
    %convert_element_type3A_149 = arith.fptosi %get3A_148 : vector<1x2048xf32> to vector<1x2048xi32>
    %mul3A_150 = arith.constant 128 : i32
    %mul3A_151 = vector.broadcast %mul3A_150 : i32 to vector<1x2048xi32>
    %mul3A_152 = arith.muli %convert_element_type3A_149, %mul3A_151 : vector<1x2048xi32>
    %get3A_153 = arith.constant 9 : index
    %get3A_154 = arith.constant 0 : index
    %get3A_155 = arith.constant 0 : index
    %get3A_156 = vector.load %arg1[%get3A_153, %get3A_154, %get3A_155] : memref<10x2x2048xf32, #tpu.memory_space<vmem>>, vector<1x1x2048xf32>
    %get3A_157 = vector.shape_cast %get3A_156 : vector<1x1x2048xf32> to vector<1x2048xf32>
    %convert_element_type3A_158 = arith.fptosi %get3A_157 : vector<1x2048xf32> to vector<1x2048xi32>
    %add3A_159 = arith.addi %mul3A_152, %convert_element_type3A_158 : vector<1x2048xi32>
    %get3A_160 = arith.constant 6 : index
    %get3A_161 = arith.constant 1 : index
    %get3A_162 = arith.constant 0 : index
    %get3A_163 = vector.load %arg1[%get3A_160, %get3A_161, %get3A_162] : memref<10x2x2048xf32, #tpu.memory_space<vmem>>, vector<1x1x2048xf32>
    %get3A_164 = vector.shape_cast %get3A_163 : vector<1x1x2048xf32> to vector<1x2048xf32>
    %convert_element_type3A_165 = arith.fptosi %get3A_164 : vector<1x2048xf32> to vector<1x2048xi32>
    %mul3A_166 = arith.constant 128 : i32
    %mul3A_167 = vector.broadcast %mul3A_166 : i32 to vector<1x2048xi32>
    %mul3A_168 = arith.muli %convert_element_type3A_165, %mul3A_167 : vector<1x2048xi32>
    %get3A_169 = arith.constant 7 : index
    %get3A_170 = arith.constant 1 : index
    %get3A_171 = arith.constant 0 : index
    %get3A_172 = vector.load %arg1[%get3A_169, %get3A_170, %get3A_171] : memref<10x2x2048xf32, #tpu.memory_space<vmem>>, vector<1x1x2048xf32>
    %get3A_173 = vector.shape_cast %get3A_172 : vector<1x1x2048xf32> to vector<1x2048xf32>
    %convert_element_type3A_174 = arith.fptosi %get3A_173 : vector<1x2048xf32> to vector<1x2048xi32>
    %add3A_175 = arith.addi %mul3A_168, %convert_element_type3A_174 : vector<1x2048xi32>
    %get3A_176 = arith.constant 8 : index
    %get3A_177 = arith.constant 1 : index
    %get3A_178 = arith.constant 0 : index
    %get3A_179 = vector.load %arg1[%get3A_176, %get3A_177, %get3A_178] : memref<10x2x2048xf32, #tpu.memory_space<vmem>>, vector<1x1x2048xf32>
    %get3A_180 = vector.shape_cast %get3A_179 : vector<1x1x2048xf32> to vector<1x2048xf32>
    %convert_element_type3A_181 = arith.fptosi %get3A_180 : vector<1x2048xf32> to vector<1x2048xi32>
    %mul3A_182 = arith.constant 128 : i32
    %mul3A_183 = vector.broadcast %mul3A_182 : i32 to vector<1x2048xi32>
    %mul3A_184 = arith.muli %convert_element_type3A_181, %mul3A_183 : vector<1x2048xi32>
    %get3A_185 = arith.constant 9 : index
    %get3A_186 = arith.constant 1 : index
    %get3A_187 = arith.constant 0 : index
    %get3A_188 = vector.load %arg1[%get3A_185, %get3A_186, %get3A_187] : memref<10x2x2048xf32, #tpu.memory_space<vmem>>, vector<1x1x2048xf32>
    %get3A_189 = vector.shape_cast %get3A_188 : vector<1x1x2048xf32> to vector<1x2048xf32>
    %convert_element_type3A_190 = arith.fptosi %get3A_189 : vector<1x2048xf32> to vector<1x2048xi32>
    %add3A_191 = arith.addi %mul3A_184, %convert_element_type3A_190 : vector<1x2048xi32>
    %concatenate3A_192 = tpu.concatenate %add3A_143, %add3A_175, %add3A_159, %add3A_191 in 0 : vector<1x2048xi32>, vector<1x2048xi32>, vector<1x2048xi32>, vector<1x2048xi32> -> vector<4x2048xi32>
    %swap3A_193 = arith.constant 0 : index
    %swap3A_194 = arith.constant 0 : index
    %swap3A_195 = vector.load %arg4[%swap3A_193, %swap3A_194] : memref<4x2048xi32, #tpu.memory_space<vmem>>, vector<4x2048xi32>
    tpu.vector_store %arg4[%swap3A_193, %swap3A_194], %concatenate3A_192 {strides = array<i32>} : memref<4x2048xi32, #tpu.memory_space<vmem>>, vector<4x2048xi32>,
    return
  }
  func.func @transform_0(%arg0: i32) -> (i32, i32, i32) {
    %c0_i32 = arith.constant 0 : i32
    %c0_i32_0 = arith.constant 0 : i32
    %c0_i32_1 = arith.constant 0 : i32
    return %c0_i32, %c0_i32_0, %arg0 : i32, i32, i32
  }
  func.func @transform_1(%arg0: i32) -> (i32, i32) {
    %c0_i32 = arith.constant 0 : i32
    %c0_i32_0 = arith.constant 0 : i32
    %c0_i32_1 = arith.constant 0 : i32
    return %c0_i32, %c0_i32_0 : i32, i32
  }
  func.func @transform_2(%arg0: i32) -> (i32, i32) {
    %c0_i32 = arith.constant 0 : i32
    %c0_i32_0 = arith.constant 0 : i32
    return %c0_i32, %arg0 : i32, i32
  }
  func.func @transform_3(%arg0: i32) -> (i32, i32) {
    %c0_i32 = arith.constant 0 : i32
    %c0_i32_0 = arith.constant 0 : i32
    return %c0_i32, %arg0 : i32, i32
  }
}

</mosaic_0001>

<sc_bundles>
// kernel: kernel.5.cloned.1.call-start
scs
__scs_entry_jumppad:
0x0: {  	(pc) =	sbr.rel $0x88, $3  }
0x1: {  	(tag) =	ssettag $0x0;
	lr =	simm.s32 $0x1  }
0x2: {  	[smem:$0x3F9E] =	sst lr;
	_ =	strace $0xD0000000  }
0x3: {  	_ = 	snop  }
0x4: {  	_ = 	snop  }
0x5: {  	_ = 	snop  }
0x6: {  	_ = 	snop  }
0x7: {  	_ = 	snop  }
__scs_overlays_trampoline_lowered:
0x8: {  	[smem:$0x3FAD] =	sst s0  }
0x9: {  	[smem:$0x3FAE] =	sst s1  }
0xa: {  	[smem:$0x3FAF] =	sst s2  }
0xb: {  	[smem:$0x3FB0] =	sst s3  }
0xc: {  	[smem:$0x3FB1] =	sst s4  }
0xd: {  	[smem:$0x3FB2] =	sst s5  }
0xe: {  	[smem:$0x3FB3] =	sst s6  }
0xf: {  	[smem:$0x3FB4] =	sst s7  }
0x10: {  	[smem:$0x3FB5] =	sst s8  }
0x11: {  	[smem:$0x3FB6] =	sst s9;
	s0 =	simm.s32 @!p0 $0x0  }
0x12: {  	s1 =	sld [smem:$0x3F9C];
	s0 =	simm.s32 @p0 $0x1  }
0x13: {  	[smem:$0x3FB7] =	sst s0;
	s0 =	simm.s32 @!p1 $0x0  }
0x14: {  	s2 =	sld [smem:$0x3F9B];
	s0 =	simm.s32 @p1 $0x1  }
0x15: {  	[smem:$0x3FB8] =	sst s0;
	s0 =	simm.s32 @!p2 $0x0  }
0x16: {  	s3 =	sld [smem:$0x3FDB];
	s0 =	simm.s32 @p2 $0x1  }
0x17: {  	s4 =	simm.s32 $0x1BF5;
	[smem:$0x3FBA] =	sst s0  }
0x18: {  	s0 =	sld [smem:$0x3F9D];
	_ =	swait.ge [sflag:s4], $0x0  }
0x19: {  	s7 =	sld [smem:$0x3F9E]  }
0x1a: {  	s8 =	sadd.s32 $0xFFFFE003, lr  }
0x1b: {  	s9 =	sadd.s32 $0xFFFFFEF7, lr;
	s5 =	simm.s32 $0xFFFFFFFF;
	p2 =	slt.u32 s8, $0xFFFFF086  }
0x1c: {  	p1 =	slt.u32 s9, $0xF7A;
	s5 =	simm.s32 @!p2 $0x0  }
0x1d: {  	s5 =	simm.s32 @p1 $0x1;
	p0 =	seq.s32 s7, s2  }
0x1e: {  	s7 =	smul.u32 @!p0 $0xF7A, s2;
	p2 =	seq.s32 @!p0 s5, $0x0  }
0x1f: {  	s9 =	smul.u32 $0xF7A, s1;
	s8 =	simm.s32 @!p0 $0x1BF5;
	p2 =	por !p2, p0  }
0x20: {  	[sflag:s8] =	ssyncset.s32 @!p0 $0xFFFFF086;
	s6 =	sadd.s32 @!p0 s3, s7;
	s7 =	simm.s32 @!p0 $0x108  }
0x21: {  	s3 =	sadd.s32 s3, s9;
	s6 =	sadd.s32 @!p0 $0x88, s6;
	s7 =	simm.s32 @p2 $0x1082  }
0x22: {  	[simem:s7], [sflag:s8] =	dma.local @!p0 [hbm:s6], $0xF7A  }
0x23: {  	s9 =	sor.u32 $0xD0000000, s2;
	s6 =	simm.s32 $0x108;
	_ =	swait.ge @!p0 [sflag:s8], $0x0  }
0x24: {  	s3 =	sadd.s32 $0x88, s3;
	s6 =	simm.s32 @!p1 $0x1082;
	[sflag:s4] =	ssyncset.s32 $0xFFFFF086  }
0x25: {  	[simem:s6], [sflag:s4] =	dma.local [hbm:s3], $0xF7A  }
0x26: {  	[smem:$0x3F9E] =	sst s1;
	(tag) =	ssettag s2;
	_ =	strace s9  }
0x27: {  	s1 =	sld [smem:$0x3FAE]  }
0x28: {  	s2 =	sld [smem:$0x3FAF]  }
0x29: {  	s4 =	sld [smem:$0x3FB1]  }
0x2a: {  	p0 =	seq.s32 s5, $0x0;
	s5 =	sld [smem:$0x3FB2]  }
0x2b: {  	s6 =	sld [smem:$0x3FB3]  }
0x2c: {  	s7 =	sld [smem:$0x3FB4]  }
0x2d: {  	s3 =	simm.s32 $0x108;
	s8 =	sld [smem:$0x3FB5]  }
0x2e: {  	s3 =	simm.s32 @!p0 $0x1082;
	s9 =	sld [smem:$0x3FB6]  }
0x2f: {  	lr =	sadd.s32 s0, s3;
	s0 =	sld [smem:$0x3FAD]  }
0x30: {  	s3 =	sld [smem:$0x3FB0]  }
0x31: {  	[smem:$0x3FB9] =	sst s10  }
0x32: {  	s10 =	sld [smem:$0x3FB7];
	_ =	sdelay $0x3  }
0x33: {  	p0 =	seq.s32 s10, $0x1;
	s10 =	sld [smem:$0x3FB9];
	_ =	sdelay $0x3  }
0x34: {  	[smem:$0x3FB9] =	sst s10  }
0x35: {  	s10 =	sld [smem:$0x3FB8];
	_ =	sdelay $0x3  }
0x36: {  	p1 =	seq.s32 s10, $0x1;
	s10 =	sld [smem:$0x3FB9];
	_ =	sdelay $0x3  }
0x37: {  	[smem:$0x3FB9] =	sst s10  }
0x38: {  	s10 =	sld [smem:$0x3FBA]  }
0x39: {  	_ = 	snop;
	(pc) =	sbr.ind lr, $3  }
0x3a: {  	_ = 	snop  }
0x3b: {  	_ = 	snop  }
0x3c: {  	p2 =	seq.s32 s10, $0x1;
	s10 =	sld [smem:$0x3FB9]  }
0x3d: {  	_ =	shalt  }
0x3e: {  	_ =	shalt  }
0x3f: {  	_ =	shalt  }
0x40: {  	_ =	shalt  }
0x41: {  	_ =	shalt  }
0x42: {  	_ =	shalt  }
0x43: {  	_ =	shalt  }
0x44: {  	_ =	shalt  }
0x45: {  	_ =	shalt  }
0x46: {  	_ =	shalt  }
0x47: {  	_ =	shalt  }
0x48: {  	_ =	shalt  }
0x49: {  	_ =	shalt  }
0x4a: {  	_ =	shalt  }
0x4b: {  	_ =	shalt  }
0x4c: {  	_ =	shalt  }
0x4d: {  	_ =	shalt  }
0x4e: {  	_ =	shalt  }
0x4f: {  	_ =	shalt  }
0x50: {  	_ =	shalt  }
0x51: {  	_ =	shalt  }
0x52: {  	_ =	shalt  }
0x53: {  	_ =	shalt  }
0x54: {  	_ =	shalt  }
0x55: {  	_ =	shalt  }
0x56: {  	_ =	shalt  }
0x57: {  	_ =	shalt  }
0x58: {  	_ =	shalt  }
0x59: {  	_ =	shalt  }
0x5a: {  	_ =	shalt  }
0x5b: {  	_ =	shalt  }
0x5c: {  	_ =	shalt  }
0x5d: {  	_ =	shalt  }
0x5e: {  	_ =	shalt  }
0x5f: {  	_ =	shalt  }
0x60: {  	_ =	shalt  }
0x61: {  	_ =	shalt  }
0x62: {  	_ =	shalt  }
0x63: {  	_ =	shalt  }
0x64: {  	_ =	shalt  }
0x65: {  	_ =	shalt  }
0x66: {  	_ =	shalt  }
0x67: {  	_ =	shalt  }
0x68: {  	_ =	shalt  }
0x69: {  	_ =	shalt  }
0x6a: {  	_ =	shalt  }
0x6b: {  	_ =	shalt  }
0x6c: {  	_ =	shalt  }
0x6d: {  	_ =	shalt  }
0x6e: {  	_ =	shalt  }
0x6f: {  	_ =	shalt  }
0x70: {  	_ =	shalt  }
0x71: {  	_ =	shalt  }
0x72: {  	_ =	shalt  }
0x73: {  	_ =	shalt  }
0x74: {  	_ =	shalt  }
0x75: {  	_ =	shalt  }
0x76: {  	_ =	shalt  }
0x77: {  	_ =	shalt  }
0x78: {  	_ =	shalt  }
0x79: {  	_ =	shalt  }
0x7a: {  	_ =	shalt  }
0x7b: {  	_ =	shalt  }
0x7c: {  	_ =	shalt  }
0x7d: {  	_ =	shalt  }
0x7e: {  	_ =	shalt  }
0x7f: {  	_ =	shalt  }
0x80: {  	_ =	shalt  }
0x81: {  	_ =	shalt  }
0x82: {  	_ =	shalt  }
0x83: {  	_ =	shalt  }
0x84: {  	_ =	shalt  }
0x85: {  	_ =	shalt  }
0x86: {  	_ =	shalt  }
0x87: {  	_ =	shalt  }
.Lfunc_end0:
.L_simem_size_0:
called_computation_lowered:
.L_overlay_start_0:
0x88: {  	s2 =	sld [smem:$0x3FD9]  }
0x89: {  	s3 =	sld [smem:$0x3FFE];
	_ =	sdelay $0x1  }
0x8a: {  	s1 =	srdreg.scid  }
0x8b: {  	s0 =	sand.u32 $0x1, s1  }
0x8c: {  	s17 =	sshll.u32 s0, $0xA;
	s2 =	sadd.s32 s3, s2  }
0x8d: {  	s2 =	sadd.s32 s2, s17  }
0x8e: {  	[smem:$0x3FC5] =	sst s2  }
0x8f: {  	_ = 	snop  }
0x90: {  	s2 =	sld [smem:$0x3FD0];
	(tm) =	ssettm $0x1  }
0x91: {  	s18 =	sld [smem:$0x3FFB];
	_ =	sdelay $0x3  }
0x92: {  	_ =	strace s18  }
0x93: {  	s3 =	sld [smem:$0x3FFC];
	_ =	sdelay $0x3  }
0x94: {  	_ =	strace s3  }
0x95: {  	s3 =	sld [smem:$0x3FFD];
	_ =	sdelay $0x3  }
0x96: {  	_ =	strace s3  }
0x97: {  	_ =	strace $0x8FFFFFFF  }
0x98: {  	s19 =	sld [smem:$0x3FDB];
	_ =	sdelay $0x1  }
0x99: {  	s4 =	simm.s32 $_scs_section_size  }
0x9a: {  	s5 =	simm.s32 $_size__tile_overlayer_lowered;
	s6 =	simm.s32 $_tile_overlayer_lowered  }
0x9b: {  	s22 =	simm.s32 $0x1BFF;
	s21 =	sshll.u32 s6, $0x1;
	s3 =	sadd.s32 s4, s19  }
0x9c: {  	s7 =	simm.s32 $0x0;
	s20 =	sshll.u32 s5, $0x1;
	s5 =	sadd.s32 s21, s3  }
0x9d: {  	[timem:s7], [sflag:s22] =	dma.local [hbm:s5], s20  }
0x9e: {  	_ =	swait.ge [sflag:s22], s20  }
0x9f: {  	s4 =	ssub.s32 $0x0, s20;
	[sflag:s22] =	ssyncset.done $0x0  }
0xa0: {  	[sflag:s22] =	ssyncadd.s32 s4;
	_ =	sdelay $0x1  }
0xa1: {  	s23 =	simm.s32 $0x1B8B  }
0xa2: {  	_ =	swait.ge [sflag:s23], $0x1  }
0xa3: {  	[sflag:s23] =	ssyncset.done $0x0  }
0xa4: {  	s25 =	simm.s32 $0x1B8E;
	s24 =	sld [smem:$0x3FFE];
	[sflag:s23] =	ssyncadd.s32 $0xFFFFFFFF  }
0xa5: {  	s26 =	simm.s32 $execute0_lowered;
	[smem:$0x3FD2] =	sst s25  }
0xa6: {  	s5 =	sshll.u32 s26, $0x1;
	_ =	strace $0x80000046;
	[dreg:$0x1] =	wrdreg $0xFFFFFFFF  }
0xa7: {  	s28 =	simm.s32 $_size_execute0_lowered;
	s3 =	sadd.s32 s3, s5;
	[dreg:$0x0] =	wrdreg $0x0  }
0xa8: {  	s5 =	sshll.u32 s28, $0x1;
	[dreg:$0x2] =	wrdreg s3  }
0xa9: {  	[dreg:$0x3] =	wrdreg s5  }
0xaa: {  	[dreg:$0x4] =	wrdreg $0xC0  }
0xab: {  	_ =	task [dreg:s7], $0x5FFFF  }
0xac: {  	[dreg:$0x1] =	wrdreg $0xFFFFFFFF  }
0xad: {  	[dreg:$0x0] =	wrdreg $0x60  }
0xae: {  	[dreg:$0x2] =	wrdreg s24  }
0xaf: {  	[dreg:$0x3] =	wrdreg s2  }
0xb0: {  	[dreg:$0x4] =	wrdreg $0x9  }
0xb1: {  	_ =	task.clear_ibuf [dreg:s7], $0x5FFFF;
	_ =	strace $0x90000046  }
0xb2: {  	s29 =	simm.s32 $0x9;
	_ =	strace $0x80000048  }
0xb3: {  	_ =	swait.ge [sflag:s29], $0x1  }
0xb4: {  	[sflag:s29] =	ssyncadd.s32 $0xFFFFFFFF  }
0xb5: {  	_ =	strace $0x90000048  }
0xb6: {  	_ =	sfence  }
0xb7: {  	s30 =	sld [smem:$0x0];
	_ =	sdelay $0x2  }
0xb8: {  	s31 =	sshll.u32 s1, $0xD;
	s1 =	sshrl.u32 s1, $0x2  }
0xb9: {  	s3 =	sand.u32 $0x4000, s31;
	s1 =	sadd.s32 s1, s30  }
0xba: {  	s0 =	sor.u32 s3, s0;
	s1 =	sshll.u32 s1, $0x11  }
0xbb: {  	s0 =	sor.u32 s1, s0  }
0xbc: {  	s0 =	sadd.s32 $0x8F2B, s0  }
0xbd: {  	[sflag:s0] =	ssyncadd.remote.s32 $0x1  }
0xbe: {  	_ =	sfence.sel $0xFFFF  }
0xbf: {  	[dreg:$0x0] =	wrdreg $0xFFFFFFFF;
	(pc) =	sbr.abs _section_cstart, $3  }
0xc0: {  	[dreg:$0x1] =	wrdreg $0xFFFFFFFF  }
0xc1: {  	_ =	task.clear_ibuf [dreg:s7], $0x2FFFF;
	_ =	strace $0x9FFFFFFF  }
0xc2: {  	(tm) =	ssettm $0x7FFFFFFF  }
0xc3: {  	_ =	shalt  }
tec
execute0_lowered:
.L_overlay_start_1:
0x0: {  	(tag) =	ssettag $0x1  }
0x1: {  	s4 =	rddreg [dreg:$0x0]  }
0x2: {  	s5 =	rddreg [dreg:$0x1]  }
0x3: {  	s0 =	rddreg [dreg:$0x2]  }
0x4: {  	s3 =	srdreg.scid;
	s2 =	simm.s32 $0x0;
	s1 =	stileid.u32  }
0x5: {  	s11 =	simm.s32 $0x4C00;
	s12 =	simm.s32 $0x2;
	s13 =	simm.s32 $0x0  }
0x6: {  	s6 =	sand.u32 $0x1, s3;
	[smem:$0x7FF] =	sst s2;
	s31 =	sshll.u32 s1, $0xA  }
0x7: {  	s3 =	sadd.s32 $0x1200, s4;
	s7 =	sshll.u32 s6, $0x9;
	s6 =	ssub.s32 $0x2, s6  }
0x8: {  	_ =	strace $0x80000047;
	s7 =	sor.u32 s7, s31;
	s9 =	sshrl.u32 s6, $0x1  }
0x9: {  	s8 =	sshrl.u32 s7, $0x1;
	s7 =	sshrl.u32 s7, $0x2;
	s9 =	ssub.s32 s6, s9  }
0xa: {  	s8 =	sadd.s32 s8, s4;
	s10 =	sadd.s32 s7, s4;
	s5 =	sadd.s32 s5, s7  }
0xb: {  	s7 =	smax.u32 s9, $0x1;
	s9 =	simm.s32 $0x4800;
	s4 =	sadd.s32 $0x1A00, s8  }
0xc: {  	s6 =	sadd.s32 $0x3A00, s10;
	s8 =	simm.s32 $0x4000;
	s10 =	simm.s32 $0x1  }
.LBB2_1:
0xd: {  	[tilespmem:s2], [sflag:$0x1] =	stream.linear.gather [hbm4b:s3+s2], $0x4000, $0x38;
	[tilespmem:$0x5000] =	vst v63  }
0xe: {  	_ = 	snop  }
0xf: {  	[tilespmem:s8], [sflag:$0x1] =	stream.linear.gather [hbm4b:s4+s2], $0x800, $0x38;
	[tilespmem:$0x5000] =	vst v63  }
0x10: {  	_ = 	snop  }
0x11: {  	[tilespmem:s9], [sflag:$0x1] =	stream.linear.gather [hbm4b:s5+s2], $0x400, $0x38;
	[tilespmem:$0x5000] =	vst v63  }
0x12: {  	_ =	swait.ge [sflag:s10], $0x4000  }
0x13: {  	[sflag:s10] =	ssyncset.done $0x0  }
0x14: {  	[sflag:s10] =	ssyncadd.s32 $0xFFFFC000  }
0x15: {  	_ =	swait.ge [sflag:s10], $0x800  }
0x16: {  	[sflag:s10] =	ssyncset.done $0x0  }
0x17: {  	s14 =	simm.s32 $0x0;
	[sflag:s10] =	ssyncadd.s32 $0xFFFFF800  }
0x18: {  	s18 =	sand.u32 $0x70, s2;
	s15 =	simm.s32 $0x1;
	_ =	swait.ge [sflag:s10], $0x400  }
0x19: {  	s16 =	simm.s32 $0x0;
	s14 =	sand.u32 $0x3FFFFE00, s14;
	[sflag:s10] =	ssyncset.done $0x0  }
0x1a: {  	s19 =	sor.u32 s18, s14;
	s14 =	simm.s32 $0x0;
	[sflag:s10] =	ssyncadd.s32 $0xFFFFFC00  }
.LBB2_2:
0x1b: {  	p0 =	sne.s32 s15, $0x1F;
	v0 =	vld [tilespmem:s19+$0x4080]  }
0x1c: {  	v1 =	vld [tilespmem:s19+$0x4100]  }
0x1d: {  	v2 =	vld [tilespmem:s19+$0x4180]  }
0x1e: {  	v3 =	vld [tilespmem:s19+$0x4000]  }
0x1f: {  	s17 =	sshll.u32 s14, $0x5;
	s14 =	smov.u32 s15  }
0x20: {  	s17 =	sand.u32 $0xFFFFFF00, s17  }
0x21: {  	s17 =	sor.u32 s18, s17  }
0x22: {  	v4 =	vld [tilespmem:s17+$0x4800]  }
0x23: {  	v5 =	vld [tilespmem:s17+$0x4880]  }
0x24: {  	v1 =	vld.idx.msk [tilespmem:v1+s2+$0x0], $0xffff  }
0x25: {  	v2 =	vld.idx.msk [tilespmem:v2+s2+$0x0], $0xffff  }
0x26: {  	v3 =	vld.idx.msk [tilespmem:v3+s2+$0x0], $0xffff  }
0x27: {  	v0 =	vld.idx.msk [tilespmem:v0+s2+$0x0], $0xffff;
	_ =	sdelay $0x3  }
0x28: {  	v1 =	vadd.f32 v4, v1;
	v2 =	vadd.f32 v5, v2;
	_ =	sdelay $0x1  }
0x29: {  	v1 =	vsub.f32 v1, v3;
	v0 =	vsub.f32 v2, v0;
	_ =	sdelay $0x1  }
0x2a: {  	v0 =	vsub.f32 v1, v0;
	_ =	sdelay $0x1  }
0x2b: {  	v1 =	vsub.f32 $0.0e+00, v0;
	v0 =	vmul.f32 $1.442695020e+00, v0;
	_ =	sdelay $0x1  }
0x2c: {  	v1 =	vmul.f32 $1.442695020e+00, v1;
	(erf) = vpow2.f32 v0;
	_ =	sdelay $0x1  }
0x2d: {  	(erf) = vpow2.f32 v1;
	_ =	sdelay $0x6  }
0x2e: {  	v0 =	vpop (erf)  }
0x2f: {  	v0 =	vadd.f32 $1.000000000e+00, v0  }
0x30: {  	v1 =	vpop (erf)  }
0x31: {  	v1 =	vadd.f32 $1.000000000e+00, v1;
	(erf) = vrcp.f32 v0;
	_ =	sdelay $0x1  }
0x32: {  	(erf) = vrcp.f32 v1;
	_ =	sdelay $0x5  }
.Ltmp0:
0x33: {  	(pc) =	sbr.rel @p0 .LBB2_2-.Ltmp0, $4  }
0x34: {  	v0 =	vpop (erf)  }
0x35: {  	s16 =	sadd.s32 $0x10, s16;
	s19 =	sshll.u32 s15, $0x6;
	[tilespmem:s17+$0x4C80] =	vst v0  }
0x36: {  	s18 =	sand.u32 $0x70, s16;
	s19 =	sand.u32 $0x3FFFFE00, s19;
	v0 =	vpop (erf)  }
0x37: {  	s15 =	sadd.s32 $0x1, s15;
	s19 =	sor.u32 s18, s19;
	[tilespmem:s17+$0x4C00] =	vst v0  }
0x38: {  	v0 =	vld [tilespmem:s19+$0x4100]  }
0x39: {  	v1 =	vld [tilespmem:s19+$0x4180]  }
0x3a: {  	v2 =	vld [tilespmem:s19+$0x4000]  }
0x3b: {  	v3 =	vld [tilespmem:s19+$0x4080];
	s14 =	sshll.u32 s14, $0x5  }
0x3c: {  	s14 =	sand.u32 $0xFFFFFF00, s14  }
0x3d: {  	s14 =	sor.u32 s18, s14  }
0x3e: {  	v4 =	vld [tilespmem:s14+$0x4800]  }
0x3f: {  	v5 =	vld [tilespmem:s14+$0x4880]  }
0x40: {  	v0 =	vld.idx.msk [tilespmem:v0+s2+$0x0], $0xffff  }
0x41: {  	v1 =	vld.idx.msk [tilespmem:v1+s2+$0x0], $0xffff  }
0x42: {  	v2 =	vld.idx.msk [tilespmem:v2+s2+$0x0], $0xffff  }
0x43: {  	v3 =	vld.idx.msk [tilespmem:v3+s2+$0x0], $0xffff;
	_ =	sdelay $0x2  }
0x44: {  	v0 =	vadd.f32 v4, v0;
	v1 =	vadd.f32 v5, v1;
	_ =	sdelay $0x1  }
0x45: {  	v0 =	vsub.f32 v0, v2;
	v1 =	vsub.f32 v1, v3;
	_ =	sdelay $0x1  }
0x46: {  	v0 =	vsub.f32 v0, v1;
	_ =	sdelay $0x1  }
0x47: {  	v1 =	vsub.f32 $0.0e+00, v0  }
0x48: {  	v0 =	vmul.f32 $1.442695020e+00, v0  }
0x49: {  	v1 =	vmul.f32 $1.442695020e+00, v1  }
0x4a: {  	(erf) = vpow2.f32 v0  }
0x4b: {  	(erf) = vpow2.f32 v1;
	_ =	sdelay $0x7  }
0x4c: {  	v0 =	vpop (erf)  }
0x4d: {  	v0 =	vadd.f32 $1.000000000e+00, v0;
	v1 =	vpop (erf)  }
0x4e: {  	v1 =	vadd.f32 $1.000000000e+00, v1  }
0x4f: {  	(erf) = vrcp.f32 v0  }
0x50: {  	(erf) = vrcp.f32 v1;
	_ =	sdelay $0x7  }
0x51: {  	s13 =	sadd.s32 $0x1, s13;
	v0 =	vpop (erf)  }
0x52: {  	p0 =	sne.s32 s13, s7;
	[tilespmem:s14+$0x4C80] =	vst v0;
	v63 =	vpop (erf)  }
.Ltmp1:
0x53: {  	[tilespmem:s14+$0x4C00] =	vst v63;
	(pc) =	sbr.rel @p0 .LBB2_1-.Ltmp1, $4  }
0x54: {  	[hbm4b:s6+s2] =	stream.linear.scatter [tilespmem:s11], [sflag:$0x2], $0x400, $0x38;
	[tilespmem:$0x5000] =	vst v63  }
0x55: {  	_ =	swait.ge [sflag:s12], $0x400  }
0x56: {  	[sflag:s12] =	ssyncset.done $0x0  }
0x57: {  	[sflag:s12] =	ssyncadd.s32 $0xFFFFFC00  }
0x58: {  	_ =	sfence.sel $0x180000  }
0x59: {  	[bflag:$0x0] =	sbarrier.arrive $0xFFFF  }
0x5a: {  	p0 =	sne.s32 s1, $0x0;
	_ =	strace $0x90000047  }
0x5b: {  	s0 =	sadd.s32 @!p0 $0x100000, s0;
	[bflag:$0x2] =	sbarrier.arrive $0xFFFF  }
0x5c: {  	[sflag:s0] =	ssyncadd.tile.s32 @!p0 $0x1;
	_ =	shalt  }
.Lfunc_end2:
_tile_overlayer_lowered:
.L_overlay_start_2:
0x5d: {  	(tag) =	ssettag $0x2  }
0x5e: {  	s0 =	rddreg [dreg:$0x0];
	s2 =	stileid.u32  }
0x5f: {  	s1 =	rddreg [dreg:$0x1];
	p0 =	sne.s32 s2, $0x0  }
0x60: {  	s3 =	rddreg [dreg:$0x2];
	[bflag:$0x3] =	sbarrier.arrive $0xFFFF;
	s2 =	simm.s32 @!p0 $0x1C02  }
0x61: {  	[timem:s3], [sflag:s2] =	dma.local @!p0 [hbm:s0], s1  }
0x62: {  	s0 =	simm.s32 @!p0 $0x2  }
0x63: {  	_ =	swait.ge @!p0 [sflag:s0], s1  }
0x64: {  	s1 =	ssub.s32 @!p0 $0x0, s1;
	[sflag:s0] =	ssyncset.done @!p0 $0x0  }
0x65: {  	[sflag:s0] =	ssyncadd.s32 @!p0 s1  }
0x66: {  	[bflag:$0x3] =	sbarrier.arrive $0xFFFF  }
0x67: {  	_ =	shalt  }

</sc_bundles>
